<compile_context>
chip_gen: v7x
topology: tpu7x:2x2x1
jax: 0.10.2.dev20260603
libtpu: 0.0.44.dev20260713+nightly
codegen_flags: <defaults>
</compile_context>

<pallas_src>
import functools

import jax
import jax.numpy as jnp
from jax import lax
from jax.experimental import pallas as pl
from jax.experimental.pallas import tpu as pltpu
from jax.experimental.pallas import tpu_sc as plsc

_CHUNK = 128


@functools.lru_cache(maxsize=None)
def _build(B, V, D):
    info = plsc.get_sparse_core_info()
    NC, NS, L = info.num_cores, info.num_subcores, info.num_lanes
    NW = NC * NS
    assert B % (NW * _CHUNK) == 0
    b_per_w = B // NW
    n_chunks = b_per_w // _CHUNK
    mesh = plsc.VectorSubcoreMesh(core_axis_name="c", subcore_axis_name="s")

    @functools.partial(
        pl.kernel,
        mesh=mesh,
        out_type=jax.ShapeDtypeStruct((B, D), jnp.float32),
        scratch_types=[
            pltpu.VMEM((_CHUNK,), jnp.int32),
            pltpu.VMEM((_CHUNK, D), jnp.float32),
            pltpu.SemaphoreType.DMA,
        ],
    )
    def gather_kernel(idx_hbm, table_hbm, out_hbm, idx_v, rows_v, sem):
        wid = lax.axis_index("c") * NS + lax.axis_index("s")
        base = wid * b_per_w

        def body(c, _):
            off = base + c * _CHUNK
            pltpu.sync_copy(idx_hbm.at[pl.ds(off, _CHUNK)], idx_v)
            for i in range(_CHUNK // L):
                sl = pl.ds(i * L, L)
                idx_v[sl] = jnp.clip(idx_v[sl], 0, V - 1)
            pltpu.async_copy(table_hbm.at[idx_v], rows_v, sem).wait()
            pltpu.sync_copy(rows_v, out_hbm.at[pl.ds(off, _CHUNK)])
            return 0

        lax.fori_loop(0, n_chunks, body, 0)

    return gather_kernel


def kernel(input, table):
    B = input.shape[0] * input.shape[1]
    idx = jnp.reshape(input, (B,)).astype(jnp.int32)
    out = _build(B, table.shape[0], table.shape[1])(idx, table)
    return jnp.reshape(out, input.shape + (table.shape[1],))

# --- scband reference (transcript-rebuilt; emitter-appended) ---
"""Pipeline reference for scband-base-transformer-lm-14894946583245 (READ-ONLY COPY).

The authoritative reference and input builder live on the scoring server;
editing this copy changes nothing except your own understanding.
"""

import jax, jax.numpy as jnp
import numpy as np

VOCAB = 100000
DIM = 768
PAD = 0

def setup_inputs(seed: int = 0) -> dict:
    key = jax.random.key(seed)
    k1, k2 = jax.random.split(key)
    input_ids = jax.random.randint(k1, (4, 8192), 0, VOCAB, dtype=jnp.int64 if jax.config.jax_enable_x64 else jnp.int32)
    table = 0.02 * jax.random.normal(k2, (VOCAB, DIM), dtype=jnp.float32)
    table = table.at[PAD].set(0.0)  # padding_idx row zeroed at init
    return {"input": input_ids, "table": table}

def reference(input, table):
    # SafeEmbedding.forward: clamp indices into range, then embedding gather.
    idx = jnp.clip(input, 0, VOCAB - 1)
    out = jnp.take(table, idx, axis=0)
    return out

if __name__ == "__main__":
    import jax
    _d = setup_inputs()
    print(jax.jit(kernel)(*tuple(_d.values())))

</pallas_src>

<mosaic_0001>
#map = affine_map<(d0, d1) -> (0)>
#map1 = affine_map<(d0, d1) -> (0, 0)>
module attributes {stable_mosaic.version = 14 : i64} {
  func.func @gather_kernel(%arg0: i32, %arg1: i32, %arg2: memref<32768xi32, #tpu.memory_space<hbm>>, %arg3: memref<100000x768xf32, #tpu.memory_space<hbm>>, %arg4: memref<32768x768xf32, #tpu.memory_space<hbm>>, %arg5: memref<128xi32, #tpu.memory_space<vmem>>, %arg6: memref<128x768xf32, #tpu.memory_space<vmem>>, %arg7: memref<!tpu.dma_semaphore, #tpu.memory_space<semaphore_mem>>) attributes {dimension_semantics = [#tpu.dimension_semantics<core_parallel>, #tpu.dimension_semantics<subcore_parallel>], iteration_bounds = array<i64: 2, 16>, scalar_prefetch = 0 : i64, scratch_operands = 3 : i64, tpu.core_type = #tpu.core_type<sc_vector_subcore>, window_params = [{transform_indices = #map}, {transform_indices = #map1}, {transform_indices = #map1}]} {
    %mul3A = arith.constant 16 : i32
    %mul3A_0 = arith.muli %arg0, %mul3A : i32
    %add3A = arith.addi %mul3A_0, %arg1 : i32
    %mul3A_1 = arith.constant 1024 : i32
    %mul3A_2 = arith.muli %add3A, %mul3A_1 : i32
    %scan3A = arith.constant 0 : i32
    %scan3A_3 = arith.constant 0 : i32
    %scan3A_4 = arith.constant 8 : i32
    %scan3A_5 = arith.addi %scan3A_3, %scan3A_4 : i32
    %scan3A_6 = arith.constant 1 : i32
    %scan3A_7 = scf.for %scan3A_9 = %scan3A_3 to %scan3A_5 step %scan3A_6 iter_args(%scan3A_10 = %scan3A) -> (i32)  : i32 {
      %mul3A_11 = arith.constant 128 : i32
      %mul3A_12 = arith.muli %scan3A_9, %mul3A_11 : i32
      %add3A_13 = arith.addi %mul3A_2, %mul3A_12 : i32
      "tpu.region"() ({
        %run_scoped3A = tpu.sem_alloc : memref<!tpu.dma_semaphore, #tpu.memory_space<semaphore_mem>>
        %dma_start3A_118 = tpu.memref_slice %arg2[%add3A_13] : memref<32768xi32, #tpu.memory_space<hbm>> -> memref<128xi32, #tpu.memory_space<hbm>>
        %dma_start3A_119 = tpu.memref_slice %arg2[%add3A_13] : memref<32768xi32, #tpu.memory_space<hbm>> -> memref<128xi32, #tpu.memory_space<hbm>>
        tpu.enqueue_dma source(%dma_start3A_119 : memref<128xi32, #tpu.memory_space<hbm>>) target(%arg5 : memref<128xi32, #tpu.memory_space<vmem>>) target_semaphore(%run_scoped3A : memref<!tpu.dma_semaphore, #tpu.memory_space<semaphore_mem>>)
        %dma_wait3A_120 = tpu.memref_slice %arg2[%add3A_13] : memref<32768xi32, #tpu.memory_space<hbm>> -> memref<128xi32, #tpu.memory_space<hbm>>
        %dma_wait3A_121 = tpu.memref_slice %arg2[%add3A_13] : memref<32768xi32, #tpu.memory_space<hbm>> -> memref<128xi32, #tpu.memory_space<hbm>>
        tpu.wait_dma2 semaphore(%run_scoped3A : memref<!tpu.dma_semaphore, #tpu.memory_space<semaphore_mem>>) src(%dma_wait3A_121 : memref<128xi32, #tpu.memory_space<hbm>>) dst(%arg5 : memref<128xi32, #tpu.memory_space<vmem>>)
        tpu.yield
      }) : () -> ()
      %get3A = arith.constant 0 : index
      %get3A_14 = tpu.vector_load %arg5[%get3A] {strides = array<i32>} : memref<128xi32, #tpu.memory_space<vmem>>, vector<16xi32>,
      %get3A_15 = vector.shape_cast %get3A_14 : vector<16xi32> to vector<16xi32>
      %jit3A = arith.constant 0 : i32
      %jit3A_16 = arith.constant 99999 : i32
      %max3A = vector.broadcast %jit3A : i32 to vector<16xi32>
      %max3A_17 = arith.maxsi %max3A, %get3A_15 : vector<16xi32>
      %min3A = vector.broadcast %jit3A_16 : i32 to vector<16xi32>
      %min3A_18 = arith.minsi %min3A, %max3A_17 : vector<16xi32>
      %swap3A = arith.constant 0 : index
      %swap3A_19 = tpu.vector_load %arg5[%swap3A] {strides = array<i32>} : memref<128xi32, #tpu.memory_space<vmem>>, vector<16xi32>,
      %swap3A_20 = vector.shape_cast %swap3A_19 : vector<16xi32> to vector<16xi32>
      %swap3A_21 = vector.shape_cast %min3A_18 : vector<16xi32> to vector<16xi32>
      tpu.vector_store %arg5[%swap3A], %swap3A_21 {strides = array<i32>} : memref<128xi32, #tpu.memory_space<vmem>>, vector<16xi32>,
      %get3A_22 = arith.constant 16 : index
      %get3A_23 = tpu.vector_load %arg5[%get3A_22] {strides = array<i32>} : memref<128xi32, #tpu.memory_space<vmem>>, vector<16xi32>,
      %get3A_24 = vector.shape_cast %get3A_23 : vector<16xi32> to vector<16xi32>
      %jit3A_25 = arith.constant 0 : i32
      %jit3A_26 = arith.constant 99999 : i32
      %max3A_27 = vector.broadcast %jit3A_25 : i32 to vector<16xi32>
      %max3A_28 = arith.maxsi %max3A_27, %get3A_24 : vector<16xi32>
      %min3A_29 = vector.broadcast %jit3A_26 : i32 to vector<16xi32>
      %min3A_30 = arith.minsi %min3A_29, %max3A_28 : vector<16xi32>
      %swap3A_31 = arith.constant 16 : index
      %swap3A_32 = tpu.vector_load %arg5[%swap3A_31] {strides = array<i32>} : memref<128xi32, #tpu.memory_space<vmem>>, vector<16xi32>,
      %swap3A_33 = vector.shape_cast %swap3A_32 : vector<16xi32> to vector<16xi32>
      %swap3A_34 = vector.shape_cast %min3A_30 : vector<16xi32> to vector<16xi32>
      tpu.vector_store %arg5[%swap3A_31], %swap3A_34 {strides = array<i32>} : memref<128xi32, #tpu.memory_space<vmem>>, vector<16xi32>,
      %get3A_35 = arith.constant 32 : index
      %get3A_36 = tpu.vector_load %arg5[%get3A_35] {strides = array<i32>} : memref<128xi32, #tpu.memory_space<vmem>>, vector<16xi32>,
      %get3A_37 = vector.shape_cast %get3A_36 : vector<16xi32> to vector<16xi32>
      %jit3A_38 = arith.constant 0 : i32
      %jit3A_39 = arith.constant 99999 : i32
      %max3A_40 = vector.broadcast %jit3A_38 : i32 to vector<16xi32>
      %max3A_41 = arith.maxsi %max3A_40, %get3A_37 : vector<16xi32>
      %min3A_42 = vector.broadcast %jit3A_39 : i32 to vector<16xi32>
      %min3A_43 = arith.minsi %min3A_42, %max3A_41 : vector<16xi32>
      %swap3A_44 = arith.constant 32 : index
      %swap3A_45 = tpu.vector_load %arg5[%swap3A_44] {strides = array<i32>} : memref<128xi32, #tpu.memory_space<vmem>>, vector<16xi32>,
      %swap3A_46 = vector.shape_cast %swap3A_45 : vector<16xi32> to vector<16xi32>
      %swap3A_47 = vector.shape_cast %min3A_43 : vector<16xi32> to vector<16xi32>
      tpu.vector_store %arg5[%swap3A_44], %swap3A_47 {strides = array<i32>} : memref<128xi32, #tpu.memory_space<vmem>>, vector<16xi32>,
      %get3A_48 = arith.constant 48 : index
      %get3A_49 = tpu.vector_load %arg5[%get3A_48] {strides = array<i32>} : memref<128xi32, #tpu.memory_space<vmem>>, vector<16xi32>,
      %get3A_50 = vector.shape_cast %get3A_49 : vector<16xi32> to vector<16xi32>
      %jit3A_51 = arith.constant 0 : i32
      %jit3A_52 = arith.constant 99999 : i32
      %max3A_53 = vector.broadcast %jit3A_51 : i32 to vector<16xi32>
      %max3A_54 = arith.maxsi %max3A_53, %get3A_50 : vector<16xi32>
      %min3A_55 = vector.broadcast %jit3A_52 : i32 to vector<16xi32>
      %min3A_56 = arith.minsi %min3A_55, %max3A_54 : vector<16xi32>
      %swap3A_57 = arith.constant 48 : index
      %swap3A_58 = tpu.vector_load %arg5[%swap3A_57] {strides = array<i32>} : memref<128xi32, #tpu.memory_space<vmem>>, vector<16xi32>,
      %swap3A_59 = vector.shape_cast %swap3A_58 : vector<16xi32> to vector<16xi32>
      %swap3A_60 = vector.shape_cast %min3A_56 : vector<16xi32> to vector<16xi32>
      tpu.vector_store %arg5[%swap3A_57], %swap3A_60 {strides = array<i32>} : memref<128xi32, #tpu.memory_space<vmem>>, vector<16xi32>,
      %get3A_61 = arith.constant 64 : index
      %get3A_62 = tpu.vector_load %arg5[%get3A_61] {strides = array<i32>} : memref<128xi32, #tpu.memory_space<vmem>>, vector<16xi32>,
      %get3A_63 = vector.shape_cast %get3A_62 : vector<16xi32> to vector<16xi32>
      %jit3A_64 = arith.constant 0 : i32
      %jit3A_65 = arith.constant 99999 : i32
      %max3A_66 = vector.broadcast %jit3A_64 : i32 to vector<16xi32>
      %max3A_67 = arith.maxsi %max3A_66, %get3A_63 : vector<16xi32>
      %min3A_68 = vector.broadcast %jit3A_65 : i32 to vector<16xi32>
      %min3A_69 = arith.minsi %min3A_68, %max3A_67 : vector<16xi32>
      %swap3A_70 = arith.constant 64 : index
      %swap3A_71 = tpu.vector_load %arg5[%swap3A_70] {strides = array<i32>} : memref<128xi32, #tpu.memory_space<vmem>>, vector<16xi32>,
      %swap3A_72 = vector.shape_cast %swap3A_71 : vector<16xi32> to vector<16xi32>
      %swap3A_73 = vector.shape_cast %min3A_69 : vector<16xi32> to vector<16xi32>
      tpu.vector_store %arg5[%swap3A_70], %swap3A_73 {strides = array<i32>} : memref<128xi32, #tpu.memory_space<vmem>>, vector<16xi32>,
      %get3A_74 = arith.constant 80 : index
      %get3A_75 = tpu.vector_load %arg5[%get3A_74] {strides = array<i32>} : memref<128xi32, #tpu.memory_space<vmem>>, vector<16xi32>,
      %get3A_76 = vector.shape_cast %get3A_75 : vector<16xi32> to vector<16xi32>
      %jit3A_77 = arith.constant 0 : i32
      %jit3A_78 = arith.constant 99999 : i32
      %max3A_79 = vector.broadcast %jit3A_77 : i32 to vector<16xi32>
      %max3A_80 = arith.maxsi %max3A_79, %get3A_76 : vector<16xi32>
      %min3A_81 = vector.broadcast %jit3A_78 : i32 to vector<16xi32>
      %min3A_82 = arith.minsi %min3A_81, %max3A_80 : vector<16xi32>
      %swap3A_83 = arith.constant 80 : index
      %swap3A_84 = tpu.vector_load %arg5[%swap3A_83] {strides = array<i32>} : memref<128xi32, #tpu.memory_space<vmem>>, vector<16xi32>,
      %swap3A_85 = vector.shape_cast %swap3A_84 : vector<16xi32> to vector<16xi32>
      %swap3A_86 = vector.shape_cast %min3A_82 : vector<16xi32> to vector<16xi32>
      tpu.vector_store %arg5[%swap3A_83], %swap3A_86 {strides = array<i32>} : memref<128xi32, #tpu.memory_space<vmem>>, vector<16xi32>,
      %get3A_87 = arith.constant 96 : index
      %get3A_88 = tpu.vector_load %arg5[%get3A_87] {strides = array<i32>} : memref<128xi32, #tpu.memory_space<vmem>>, vector<16xi32>,
      %get3A_89 = vector.shape_cast %get3A_88 : vector<16xi32> to vector<16xi32>
      %jit3A_90 = arith.constant 0 : i32
      %jit3A_91 = arith.constant 99999 : i32
      %max3A_92 = vector.broadcast %jit3A_90 : i32 to vector<16xi32>
      %max3A_93 = arith.maxsi %max3A_92, %get3A_89 : vector<16xi32>
      %min3A_94 = vector.broadcast %jit3A_91 : i32 to vector<16xi32>
      %min3A_95 = arith.minsi %min3A_94, %max3A_93 : vector<16xi32>
      %swap3A_96 = arith.constant 96 : index
      %swap3A_97 = tpu.vector_load %arg5[%swap3A_96] {strides = array<i32>} : memref<128xi32, #tpu.memory_space<vmem>>, vector<16xi32>,
      %swap3A_98 = vector.shape_cast %swap3A_97 : vector<16xi32> to vector<16xi32>
      %swap3A_99 = vector.shape_cast %min3A_95 : vector<16xi32> to vector<16xi32>
      tpu.vector_store %arg5[%swap3A_96], %swap3A_99 {strides = array<i32>} : memref<128xi32, #tpu.memory_space<vmem>>, vector<16xi32>,
      %get3A_100 = arith.constant 112 : index
      %get3A_101 = tpu.vector_load %arg5[%get3A_100] {strides = array<i32>} : memref<128xi32, #tpu.memory_space<vmem>>, vector<16xi32>,
      %get3A_102 = vector.shape_cast %get3A_101 : vector<16xi32> to vector<16xi32>
      %jit3A_103 = arith.constant 0 : i32
      %jit3A_104 = arith.constant 99999 : i32
      %max3A_105 = vector.broadcast %jit3A_103 : i32 to vector<16xi32>
      %max3A_106 = arith.maxsi %max3A_105, %get3A_102 : vector<16xi32>
      %min3A_107 = vector.broadcast %jit3A_104 : i32 to vector<16xi32>
      %min3A_108 = arith.minsi %min3A_107, %max3A_106 : vector<16xi32>
      %swap3A_109 = arith.constant 112 : index
      %swap3A_110 = tpu.vector_load %arg5[%swap3A_109] {strides = array<i32>} : memref<128xi32, #tpu.memory_space<vmem>>, vector<16xi32>,
      %swap3A_111 = vector.shape_cast %swap3A_110 : vector<16xi32> to vector<16xi32>
      %swap3A_112 = vector.shape_cast %min3A_108 : vector<16xi32> to vector<16xi32>
      tpu.vector_store %arg5[%swap3A_109], %swap3A_112 {strides = array<i32>} : memref<128xi32, #tpu.memory_space<vmem>>, vector<16xi32>,
      %dma_start3A = arith.constant 0 : i32
      %dma_start3A_113 = arith.constant 0 : i32
      %dma_start3A_114 = tpu.memref_slice %arg3[%dma_start3A, %dma_start3A_113] : memref<100000x768xf32, #tpu.memory_space<hbm>> -> memref<100000x768xf32, #tpu.memory_space<hbm>>
      tpu.enqueue_indirect_dma source(%dma_start3A_114 : memref<100000x768xf32, #tpu.memory_space<hbm>>) target(%arg6 : memref<128x768xf32, #tpu.memory_space<vmem>>) offsets(%arg5 : memref<128xi32, #tpu.memory_space<vmem>>) semaphore(%arg7 : memref<!tpu.dma_semaphore, #tpu.memory_space<semaphore_mem>>)
      %dma_wait3A = arith.constant 0 : i32
      %dma_wait3A_115 = arith.constant 0 : i32
      %dma_wait3A_116 = tpu.memref_slice %arg3[%dma_wait3A, %dma_wait3A_115] : memref<100000x768xf32, #tpu.memory_space<hbm>> -> memref<100000x768xf32, #tpu.memory_space<hbm>>
      tpu.wait_indirect_dma semaphore(%arg7 : memref<!tpu.dma_semaphore, #tpu.memory_space<semaphore_mem>>) src(%dma_wait3A_116 : memref<100000x768xf32, #tpu.memory_space<hbm>>) dst(%arg6 : memref<128x768xf32, #tpu.memory_space<vmem>>)
      "tpu.region"() ({
        %run_scoped3A = tpu.sem_alloc : memref<!tpu.dma_semaphore, #tpu.memory_space<semaphore_mem>>
        %dma_start3A_118 = arith.constant 0 : i32
        %dma_start3A_119 = tpu.memref_slice %arg4[%add3A_13, %dma_start3A_118] : memref<32768x768xf32, #tpu.memory_space<hbm>> -> memref<128x768xf32, #tpu.memory_space<hbm>>
        %dma_start3A_120 = arith.constant 0 : i32
        %dma_start3A_121 = tpu.memref_slice %arg4[%add3A_13, %dma_start3A_120] : memref<32768x768xf32, #tpu.memory_space<hbm>> -> memref<128x768xf32, #tpu.memory_space<hbm>>
        tpu.enqueue_dma source(%arg6 : memref<128x768xf32, #tpu.memory_space<vmem>>) target(%dma_start3A_121 : memref<128x768xf32, #tpu.memory_space<hbm>>) target_semaphore(%run_scoped3A : memref<!tpu.dma_semaphore, #tpu.memory_space<semaphore_mem>>)
        %dma_wait3A_122 = arith.constant 0 : i32
        %dma_wait3A_123 = tpu.memref_slice %arg4[%add3A_13, %dma_wait3A_122] : memref<32768x768xf32, #tpu.memory_space<hbm>> -> memref<128x768xf32, #tpu.memory_space<hbm>>
        %dma_wait3A_124 = arith.constant 0 : i32
        %dma_wait3A_125 = tpu.memref_slice %arg4[%add3A_13, %dma_wait3A_124] : memref<32768x768xf32, #tpu.memory_space<hbm>> -> memref<128x768xf32, #tpu.memory_space<hbm>>
        tpu.wait_dma2 semaphore(%run_scoped3A : memref<!tpu.dma_semaphore, #tpu.memory_space<semaphore_mem>>) src(%arg6 : memref<128x768xf32, #tpu.memory_space<vmem>>) dst(%dma_wait3A_125 : memref<128x768xf32, #tpu.memory_space<hbm>>)
        tpu.yield
      }) : () -> ()
      %scan3A_117 = arith.constant 0 : i32
      scf.yield %scan3A_117 : i32
    }
    %scan3A_8 = arith.constant 8 : i32
    return
  }
}

</mosaic_0001>

<sc_bundles>
// kernel: kernel.3.cloned.1.call-start
scs
__scs_entry_jumppad:
0x0: {  	(pc) =	sbr.rel $0x88, $3  }
0x1: {  	(tag) =	ssettag $0x0;
	lr =	simm.s32 $0x1  }
0x2: {  	[smem:$0x3F9F] =	sst lr;
	_ =	strace $0xD0000000  }
0x3: {  	_ = 	snop  }
0x4: {  	_ = 	snop  }
0x5: {  	_ = 	snop  }
0x6: {  	_ = 	snop  }
0x7: {  	_ = 	snop  }
__scs_overlays_trampoline_lowered:
0x8: {  	[smem:$0x3FAE] =	sst s0  }
0x9: {  	[smem:$0x3FAF] =	sst s1  }
0xa: {  	[smem:$0x3FB0] =	sst s2  }
0xb: {  	[smem:$0x3FB1] =	sst s3  }
0xc: {  	[smem:$0x3FB2] =	sst s4  }
0xd: {  	[smem:$0x3FB3] =	sst s5  }
0xe: {  	[smem:$0x3FB4] =	sst s6  }
0xf: {  	[smem:$0x3FB5] =	sst s7  }
0x10: {  	[smem:$0x3FB6] =	sst s8  }
0x11: {  	[smem:$0x3FB7] =	sst s9;
	s0 =	simm.s32 @!p0 $0x0  }
0x12: {  	s1 =	sld [smem:$0x3F9D];
	s0 =	simm.s32 @p0 $0x1  }
0x13: {  	[smem:$0x3FB8] =	sst s0;
	s0 =	simm.s32 @!p1 $0x0  }
0x14: {  	s2 =	sld [smem:$0x3F9C];
	s0 =	simm.s32 @p1 $0x1  }
0x15: {  	[smem:$0x3FB9] =	sst s0;
	s0 =	simm.s32 @!p2 $0x0  }
0x16: {  	s3 =	sld [smem:$0x3FDB];
	s0 =	simm.s32 @p2 $0x1  }
0x17: {  	s4 =	simm.s32 $0x1BF5;
	[smem:$0x3FBB] =	sst s0  }
0x18: {  	s0 =	sld [smem:$0x3F9E];
	_ =	swait.ge [sflag:s4], $0x0  }
0x19: {  	s7 =	sld [smem:$0x3F9F]  }
0x1a: {  	s8 =	sadd.s32 $0xFFFFE003, lr  }
0x1b: {  	s9 =	sadd.s32 $0xFFFFFEF7, lr;
	s5 =	simm.s32 $0xFFFFFFFF;
	p2 =	slt.u32 s8, $0xFFFFF086  }
0x1c: {  	p1 =	slt.u32 s9, $0xF7A;
	s5 =	simm.s32 @!p2 $0x0  }
0x1d: {  	s5 =	simm.s32 @p1 $0x1;
	p0 =	seq.s32 s7, s2  }
0x1e: {  	s7 =	smul.u32 @!p0 $0xF7A, s2;
	p2 =	seq.s32 @!p0 s5, $0x0  }
0x1f: {  	s9 =	smul.u32 $0xF7A, s1;
	s8 =	simm.s32 @!p0 $0x1BF5;
	p2 =	por !p2, p0  }
0x20: {  	[sflag:s8] =	ssyncset.s32 @!p0 $0xFFFFF086;
	s6 =	sadd.s32 @!p0 s3, s7;
	s7 =	simm.s32 @!p0 $0x108  }
0x21: {  	s3 =	sadd.s32 s3, s9;
	s6 =	sadd.s32 @!p0 $0x88, s6;
	s7 =	simm.s32 @p2 $0x1082  }
0x22: {  	[simem:s7], [sflag:s8] =	dma.local @!p0 [hbm:s6], $0xF7A  }
0x23: {  	s9 =	sor.u32 $0xD0000000, s2;
	s6 =	simm.s32 $0x108;
	_ =	swait.ge @!p0 [sflag:s8], $0x0  }
0x24: {  	s3 =	sadd.s32 $0x88, s3;
	s6 =	simm.s32 @!p1 $0x1082;
	[sflag:s4] =	ssyncset.s32 $0xFFFFF086  }
0x25: {  	[simem:s6], [sflag:s4] =	dma.local [hbm:s3], $0xF7A  }
0x26: {  	[smem:$0x3F9F] =	sst s1;
	(tag) =	ssettag s2;
	_ =	strace s9  }
0x27: {  	s1 =	sld [smem:$0x3FAF]  }
0x28: {  	s2 =	sld [smem:$0x3FB0]  }
0x29: {  	s4 =	sld [smem:$0x3FB2]  }
0x2a: {  	p0 =	seq.s32 s5, $0x0;
	s5 =	sld [smem:$0x3FB3]  }
0x2b: {  	s6 =	sld [smem:$0x3FB4]  }
0x2c: {  	s7 =	sld [smem:$0x3FB5]  }
0x2d: {  	s3 =	simm.s32 $0x108;
	s8 =	sld [smem:$0x3FB6]  }
0x2e: {  	s3 =	simm.s32 @!p0 $0x1082;
	s9 =	sld [smem:$0x3FB7]  }
0x2f: {  	lr =	sadd.s32 s0, s3;
	s0 =	sld [smem:$0x3FAE]  }
0x30: {  	s3 =	sld [smem:$0x3FB1]  }
0x31: {  	[smem:$0x3FBA] =	sst s10  }
0x32: {  	s10 =	sld [smem:$0x3FB8];
	_ =	sdelay $0x3  }
0x33: {  	p0 =	seq.s32 s10, $0x1;
	s10 =	sld [smem:$0x3FBA];
	_ =	sdelay $0x3  }
0x34: {  	[smem:$0x3FBA] =	sst s10  }
0x35: {  	s10 =	sld [smem:$0x3FB9];
	_ =	sdelay $0x3  }
0x36: {  	p1 =	seq.s32 s10, $0x1;
	s10 =	sld [smem:$0x3FBA];
	_ =	sdelay $0x3  }
0x37: {  	[smem:$0x3FBA] =	sst s10  }
0x38: {  	s10 =	sld [smem:$0x3FBB]  }
0x39: {  	_ = 	snop;
	(pc) =	sbr.ind lr, $3  }
0x3a: {  	_ = 	snop  }
0x3b: {  	_ = 	snop  }
0x3c: {  	p2 =	seq.s32 s10, $0x1;
	s10 =	sld [smem:$0x3FBA]  }
0x3d: {  	_ =	shalt  }
0x3e: {  	_ =	shalt  }
0x3f: {  	_ =	shalt  }
0x40: {  	_ =	shalt  }
0x41: {  	_ =	shalt  }
0x42: {  	_ =	shalt  }
0x43: {  	_ =	shalt  }
0x44: {  	_ =	shalt  }
0x45: {  	_ =	shalt  }
0x46: {  	_ =	shalt  }
0x47: {  	_ =	shalt  }
0x48: {  	_ =	shalt  }
0x49: {  	_ =	shalt  }
0x4a: {  	_ =	shalt  }
0x4b: {  	_ =	shalt  }
0x4c: {  	_ =	shalt  }
0x4d: {  	_ =	shalt  }
0x4e: {  	_ =	shalt  }
0x4f: {  	_ =	shalt  }
0x50: {  	_ =	shalt  }
0x51: {  	_ =	shalt  }
0x52: {  	_ =	shalt  }
0x53: {  	_ =	shalt  }
0x54: {  	_ =	shalt  }
0x55: {  	_ =	shalt  }
0x56: {  	_ =	shalt  }
0x57: {  	_ =	shalt  }
0x58: {  	_ =	shalt  }
0x59: {  	_ =	shalt  }
0x5a: {  	_ =	shalt  }
0x5b: {  	_ =	shalt  }
0x5c: {  	_ =	shalt  }
0x5d: {  	_ =	shalt  }
0x5e: {  	_ =	shalt  }
0x5f: {  	_ =	shalt  }
0x60: {  	_ =	shalt  }
0x61: {  	_ =	shalt  }
0x62: {  	_ =	shalt  }
0x63: {  	_ =	shalt  }
0x64: {  	_ =	shalt  }
0x65: {  	_ =	shalt  }
0x66: {  	_ =	shalt  }
0x67: {  	_ =	shalt  }
0x68: {  	_ =	shalt  }
0x69: {  	_ =	shalt  }
0x6a: {  	_ =	shalt  }
0x6b: {  	_ =	shalt  }
0x6c: {  	_ =	shalt  }
0x6d: {  	_ =	shalt  }
0x6e: {  	_ =	shalt  }
0x6f: {  	_ =	shalt  }
0x70: {  	_ =	shalt  }
0x71: {  	_ =	shalt  }
0x72: {  	_ =	shalt  }
0x73: {  	_ =	shalt  }
0x74: {  	_ =	shalt  }
0x75: {  	_ =	shalt  }
0x76: {  	_ =	shalt  }
0x77: {  	_ =	shalt  }
0x78: {  	_ =	shalt  }
0x79: {  	_ =	shalt  }
0x7a: {  	_ =	shalt  }
0x7b: {  	_ =	shalt  }
0x7c: {  	_ =	shalt  }
0x7d: {  	_ =	shalt  }
0x7e: {  	_ =	shalt  }
0x7f: {  	_ =	shalt  }
0x80: {  	_ =	shalt  }
0x81: {  	_ =	shalt  }
0x82: {  	_ =	shalt  }
0x83: {  	_ =	shalt  }
0x84: {  	_ =	shalt  }
0x85: {  	_ =	shalt  }
0x86: {  	_ =	shalt  }
0x87: {  	_ =	shalt  }
.Lfunc_end0:
.L_simem_size_0:
called_computation_lowered:
.L_overlay_start_0:
0x88: {  	s2 =	sld [smem:$0x3FD9]  }
0x89: {  	s3 =	sld [smem:$0x3FFE];
	_ =	sdelay $0x1  }
0x8a: {  	s1 =	srdreg.scid  }
0x8b: {  	s0 =	sand.u32 $0x1, s1  }
0x8c: {  	s17 =	sshll.u32 s0, $0xA;
	s2 =	sadd.s32 s3, s2  }
0x8d: {  	s2 =	sadd.s32 s2, s17  }
0x8e: {  	[smem:$0x3FC6] =	sst s2  }
0x8f: {  	_ = 	snop  }
0x90: {  	s2 =	sld [smem:$0x3FC8]  }
0x91: {  	s18 =	sld [smem:$0x3FD0];
	(tm) =	ssettm $0x1  }
0x92: {  	s4 =	sld [smem:$0x3FFB];
	_ =	sdelay $0x3  }
0x93: {  	_ =	strace s4  }
0x94: {  	s4 =	sld [smem:$0x3FFC];
	_ =	sdelay $0x3  }
0x95: {  	_ =	strace s4  }
0x96: {  	s4 =	sld [smem:$0x3FFD];
	_ =	sdelay $0x3  }
0x97: {  	_ =	strace s4  }
0x98: {  	_ =	strace $0x8FFFFFFF  }
0x99: {  	s19 =	sld [smem:$0x3FDB];
	_ =	sdelay $0x1  }
0x9a: {  	s5 =	simm.s32 $_scs_section_size  }
0x9b: {  	s6 =	simm.s32 $_size__tile_overlayer_lowered;
	s7 =	simm.s32 $_tile_overlayer_lowered  }
0x9c: {  	s22 =	simm.s32 $0x1BFF;
	s21 =	sshll.u32 s7, $0x1;
	s4 =	sadd.s32 s5, s19  }
0x9d: {  	s8 =	simm.s32 $0x0;
	s20 =	sshll.u32 s6, $0x1;
	s6 =	sadd.s32 s21, s4  }
0x9e: {  	[timem:s8], [sflag:s22] =	dma.local [hbm:s6], s20  }
0x9f: {  	_ =	swait.ge [sflag:s22], s20  }
0xa0: {  	s5 =	ssub.s32 $0x0, s20;
	[sflag:s22] =	ssyncset.done $0x0  }
0xa1: {  	[sflag:s22] =	ssyncadd.s32 s5;
	_ =	sdelay $0x1  }
0xa2: {  	s23 =	simm.s32 $0x1B8B  }
0xa3: {  	_ =	swait.ge [sflag:s23], $0x1  }
0xa4: {  	[sflag:s23] =	ssyncset.done $0x0  }
0xa5: {  	s25 =	simm.s32 $0x1B8E;
	s24 =	sld [smem:$0x3FFE];
	[sflag:s23] =	ssyncadd.s32 $0xFFFFFFFF  }
0xa6: {  	s26 =	simm.s32 $execute0_lowered;
	[smem:$0x3FD2] =	sst s25  }
0xa7: {  	s6 =	sshll.u32 s26, $0x1;
	_ =	strace $0x80000046;
	[dreg:$0x1] =	wrdreg $0xFFFFFFFF  }
0xa8: {  	s28 =	simm.s32 $_size_execute0_lowered;
	s4 =	sadd.s32 s4, s6;
	[dreg:$0x0] =	wrdreg $0x0  }
0xa9: {  	s6 =	sshll.u32 s28, $0x1;
	[dreg:$0x2] =	wrdreg s4  }
0xaa: {  	[dreg:$0x3] =	wrdreg s6  }
0xab: {  	[dreg:$0x4] =	wrdreg $0xC0  }
0xac: {  	_ =	task [dreg:s8], $0x5FFFF  }
0xad: {  	[dreg:$0x1] =	wrdreg $0xFFFFFFFF  }
0xae: {  	[dreg:$0x0] =	wrdreg $0x60  }
0xaf: {  	[dreg:$0x2] =	wrdreg s24  }
0xb0: {  	[dreg:$0x3] =	wrdreg s2  }
0xb1: {  	[dreg:$0x4] =	wrdreg s18  }
0xb2: {  	[dreg:$0x5] =	wrdreg $0x9  }
0xb3: {  	_ =	task.clear_ibuf [dreg:s8], $0x6FFFF;
	_ =	strace $0x90000046  }
0xb4: {  	s29 =	simm.s32 $0x9;
	_ =	strace $0x80000048  }
0xb5: {  	_ =	swait.ge [sflag:s29], $0x1  }
0xb6: {  	[sflag:s29] =	ssyncadd.s32 $0xFFFFFFFF  }
0xb7: {  	_ =	strace $0x90000048  }
0xb8: {  	_ =	sfence  }
0xb9: {  	s30 =	sld [smem:$0x0];
	_ =	sdelay $0x2  }
0xba: {  	s31 =	sshll.u32 s1, $0xD;
	s1 =	sshrl.u32 s1, $0x2  }
0xbb: {  	s3 =	sand.u32 $0x4000, s31;
	s1 =	sadd.s32 s1, s30  }
0xbc: {  	s0 =	sor.u32 s3, s0;
	s1 =	sshll.u32 s1, $0x11  }
0xbd: {  	s0 =	sor.u32 s1, s0  }
0xbe: {  	s0 =	sadd.s32 $0x8F2B, s0  }
0xbf: {  	[sflag:s0] =	ssyncadd.remote.s32 $0x1  }
0xc0: {  	_ =	sfence.sel $0xFFFF  }
0xc1: {  	[dreg:$0x0] =	wrdreg $0xFFFFFFFF;
	(pc) =	sbr.abs _section_cstart, $3  }
0xc2: {  	[dreg:$0x1] =	wrdreg $0xFFFFFFFF  }
0xc3: {  	_ =	task.clear_ibuf [dreg:s8], $0x2FFFF;
	_ =	strace $0x9FFFFFFF  }
0xc4: {  	(tm) =	ssettm $0x7FFFFFFF  }
0xc5: {  	_ =	shalt  }
tec
execute0_lowered:
.L_overlay_start_1:
0x0: {  	(tag) =	ssettag $0x1  }
0x1: {  	s4 =	rddreg [dreg:$0x0]  }
0x2: {  	s1 =	rddreg [dreg:$0x1]  }
0x3: {  	s0 =	rddreg [dreg:$0x2];
	s3 =	simm.s32 $0x0  }
0x4: {  	s20 =	simm.s32 $0x880;
	[smem:$0x7FF] =	sst s3  }
0x5: {  	s21 =	simm.s32 $0x1080;
	_ =	strace $0x80000047;
	[dreg:$0x5] =	wrdreg s20  }
0x6: {  	s22 =	simm.s32 $0x1880;
	[dreg:$0x6] =	wrdreg s21  }
0x7: {  	s23 =	simm.s32 $0x2080;
	[dreg:$0x7] =	wrdreg s22  }
0x8: {  	s24 =	simm.s32 $0x2880;
	[dreg:$0x8] =	wrdreg s23  }
0x9: {  	s25 =	simm.s32 $0x3080;
	[dreg:$0x9] =	wrdreg s24  }
0xa: {  	s26 =	simm.s32 $0x3880;
	[dreg:$0xa] =	wrdreg s25  }
0xb: {  	s2 =	srdreg.scid;
	s6 =	simm.s32 $0x4880;
	[dreg:$0xb] =	wrdreg s26  }
0xc: {  	s8 =	stileid.u32;
	s7 =	simm.s32 $0x5080;
	[dreg:$0xd] =	wrdreg s6  }
0xd: {  	s9 =	simm.s32 $0x5880;
	s10 =	simm.s32 $0x6080;
	[dreg:$0xe] =	wrdreg s7  }
0xe: {  	s11 =	simm.s32 $0x6880;
	s12 =	simm.s32 $0x7080;
	[dreg:$0xf] =	wrdreg s9  }
0xf: {  	s13 =	simm.s32 $0x7880;
	s14 =	simm.s32 $0x8080;
	[dreg:$0x10] =	wrdreg s10  }
0x10: {  	s15 =	simm.s32 $0x8880;
	s16 =	simm.s32 $0x9080;
	[dreg:$0x11] =	wrdreg s11  }
0x11: {  	s18 =	simm.s32 $0x9880;
	s28 =	simm.s32 $0x17080;
	[dreg:$0x12] =	wrdreg s12  }
0x12: {  	s29 =	simm.s32 $0x17880;
	s30 =	simm.s32 $0x1;
	[dreg:$0x13] =	wrdreg s13  }
0x13: {  	s31 =	simm.s32 $0x0;
	s2 =	sand.u32 $0x1, s2;
	[dreg:$0x14] =	wrdreg s14  }
0x14: {  	s19 =	sshll.u32 s8, $0x7;
	s8 =	smul.u32 $0x18000, s8;
	[dreg:$0x15] =	wrdreg s15  }
0x15: {  	s5 =	sshll.u32 s2, $0xB;
	s17 =	ssub.s32 $0x2, s2;
	[dreg:$0x16] =	wrdreg s16  }
0x16: {  	[dreg:$0x17] =	wrdreg s18;
	s20 =	simm.s32 $0xA880;
	s7 =	simm.s32 $0xB080  }
0x17: {  	s21 =	simm.s32 $0xB880;
	s22 =	simm.s32 $0xC080;
	s2 =	smul.u32 $0x180000, s2  }
0x18: {  	s23 =	simm.s32 $0xC880;
	s24 =	simm.s32 $0xD080;
	[dreg:$0x19] =	wrdreg s20  }
0x19: {  	s25 =	simm.s32 $0xD880;
	s26 =	simm.s32 $0xE080;
	[dreg:$0x1a] =	wrdreg s7  }
0x1a: {  	s9 =	simm.s32 $0x80;
	s10 =	simm.s32 $0xE880;
	[dreg:$0x1b] =	wrdreg s21  }
0x1b: {  	s11 =	simm.s32 $0xF080;
	s12 =	simm.s32 $0xF880;
	[dreg:$0x1c] =	wrdreg s22  }
0x1c: {  	s13 =	simm.s32 $0x10080;
	s14 =	simm.s32 $0x10880;
	[dreg:$0x1d] =	wrdreg s23  }
0x1d: {  	s15 =	simm.s32 $0x11080;
	s16 =	simm.s32 $0x11880;
	[dreg:$0x1e] =	wrdreg s24  }
0x1e: {  	s18 =	simm.s32 $0x12880;
	s4 =	sadd.s32 s5, s4;
	[dreg:$0x1f] =	wrdreg s25  }
0x1f: {  	s5 =	simm.s32 $0x4080;
	s6 =	sshrl.u32 s17, $0x1;
	[smem:$0x7FD] =	sst s26  }
0x20: {  	s20 =	simm.s32 $0x13880;
	s21 =	simm.s32 $0x14080;
	s22 =	simm.s32 $0x14880  }
0x21: {  	s23 =	simm.s32 $0x15080;
	s24 =	simm.s32 $0x15880;
	s25 =	simm.s32 $0x16080  }
0x22: {  	s26 =	simm.s32 $0x16880;
	s4 =	sadd.s32 s19, s4;
	[dreg:$0xc] =	wrdreg s5  }
0x23: {  	s19 =	simm.s32 $0xA080;
	s6 =	ssub.s32 s17, s6;
	s5 =	sadd.s32 $0x200, s1  }
0x24: {  	s0 =	sadd.s32 s2, s0;
	s4 =	sadd.s32 $0x400, s4;
	[dreg:$0x18] =	wrdreg s19  }
0x25: {  	v2 =	vlaneseq.u32;
	s17 =	simm.s32 $0x12080;
	s6 =	smax.u32 s6, $0x1;
	[dreg:$0x4] =	wrdreg s4  }
0x26: {  	vm0 =	vmmov $0xffff;
	v1 =	vshrl.u32 v2, $0x3;
	s0 =	sadd.s32 s8, s0;
	s8 =	simm.s32 $0x2;
	[smem:$0x7FB] =	sst s6  }
0x27: {  	v0 =	vand.u32 $0x7, v2;
	v2 =	vor.u32 $0x8, v2;
	v1 =	vmul.u32 $0x8, v1;
	s19 =	simm.s32 $0x13080;
	s4 =	sadd.s32 $0x100, s1;
	[smem:$0x7FC] =	sst s0  }
.LBB2_1:
0x28: {  	s7 =	sld [smem:$0x7FC];
	s2 =	simm.s32 $0x0  }
.LBB2_2:
0x29: {  	s6 =	rddreg [dreg:$0x4]  }
0x2a: {  	s6 =	sadd.s32 s2, s6  }
0x2b: {  	[tilespmem:s3], [sflag:$0x2] =	stream.linear.gather [hbm4b:s6+s3], $0x80, $0x38;
	[tilespmem:$0x18080] =	vst v63  }
0x2c: {  	_ =	swait.ge [sflag:s8], $0x80  }
0x2d: {  	[sflag:s8] =	ssyncset.done $0x0  }
0x2e: {  	[sflag:s8] =	ssyncadd.s32 $0xFFFFFF80  }
0x2f: {  	v3 =	vld [tilespmem:$0x0];
	_ =	sdelay $0x1  }
0x30: {  	v4 =	vld [tilespmem:$0x10];
	_ =	sdelay $0x1  }
0x31: {  	v5 =	vld [tilespmem:$0x20]  }
0x32: {  	v6 =	vld [tilespmem:$0x30];
	vm1 =	vgt.s32 v3, $0x0  }
0x33: {  	v7 =	vld [tilespmem:$0x40];
	v3 =	vnsel vm1, $0x0, v3  }
0x34: {  	vm1 =	vgt.s32 v4, $0x0;
	v3 =	vmin.u32 v3, $0x1869F  }
0x35: {  	v9 =	vld [tilespmem:$0x50];
	v4 =	vnsel vm1, $0x0, v4;
	v8 =	vshrl.u32 v3, $0x3  }
0x36: {  	v10 =	vld [tilespmem:$0x60];
	vm1 =	vgt.s32 v5, $0x0;
	v11 =	vand.u32 $0x7, v3;
	v8 =	vmul.u32 $0x30, v8  }
0x37: {  	v50 =	vld [tilespmem:$0x70];
	v5 =	vnsel vm1, $0x0, v5;
	vm1 =	vgt.s32 v6, $0x0;
	[tilespmem:$0x0] =	vst v3;
	v3 =	vmin.u32 v4, $0x1869F  }
0x38: {  	v51 =	vnsel vm1, $0x0, v6;
	vm1 =	vgt.s32 v7, $0x0;
	v8 =	vor.u32 v11, v8  }
0x39: {  	[tilespmem:$0x10] =	vst v3;
	v3 =	vmin.u32 v5, $0x1869F;
	v52 =	vnsel vm1, $0x0, v7;
	v53 =	vperm.xlane v8, v0  }
0x3a: {  	[tilespmem:$0x20] =	vst v3;
	v3 =	vmin.u32 v51, $0x1869F;
	vm1 =	vgt.s32 v9, $0x0;
	v54 =	vmin.u32 v52, $0x1869F  }
0x3b: {  	[tilespmem:$0x30] =	vst v3;
	v3 =	vnsel vm1, $0x0, v9;
	vm1 =	vgt.s32 v10, $0x0;
	v55 =	vadd.s32 v1, v53  }
0x3c: {  	[tilespmem:$0x40] =	vst v54;
	v3 =	vmin.u32 v3, $0x1869F;
	v56 =	vnsel vm1, $0x0, v10;
	vm1 =	vgt.s32 v50, $0x0  }
0x3d: {  	[tilespmem:$0x50] =	vst v3;
	v3 =	vnsel vm1, $0x0, v50;
	v4 =	vmin.u32 v56, $0x1869F  }
0x3e: {  	[tilespmem:$0x60] =	vst v4;
	v3 =	vmin.u32 v3, $0x1869F  }
0x3f: {  	[tilespmem:$0x70] =	vst v3;
	v3 =	vperm.xlane v8, v2  }
0x40: {  	[tilespmem:s9], [sflag:$0x1] =	stream.indirect_vreg.gather [hbm4b:s1+s3], $0x80, v55, vm0, $0xb8;
	[tilespmem:$0x18080] =	vst v63  }
0x41: {  	s6 =	rddreg [dreg:$0x5];
	v3 =	vadd.s32 v1, v3  }
0x42: {  	[tilespmem:s6], [sflag:$0x1] =	stream.indirect_vreg.gather [hbm4b:s4+s3], $0x80, v55, vm0, $0xb8;
	[tilespmem:$0x18080] =	vst v63  }
0x43: {  	s0 =	rddreg [dreg:$0x6]  }
0x44: {  	[tilespmem:s0], [sflag:$0x1] =	stream.indirect_vreg.gather [hbm4b:s5+s3], $0x80, v55, vm0, $0xb8;
	[tilespmem:$0x18080] =	vst v63  }
0x45: {  	s6 =	rddreg [dreg:$0x7]  }
0x46: {  	[tilespmem:s6], [sflag:$0x1] =	stream.indirect_vreg.gather [hbm4b:s1+s3], $0x80, v3, vm0, $0xb8;
	[tilespmem:$0x18080] =	vst v63  }
0x47: {  	s0 =	rddreg [dreg:$0x8]  }
0x48: {  	[tilespmem:s0], [sflag:$0x1] =	stream.indirect_vreg.gather [hbm4b:s4+s3], $0x80, v3, vm0, $0xb8;
	[tilespmem:$0x18080] =	vst v63  }
0x49: {  	s6 =	rddreg [dreg:$0x9]  }
0x4a: {  	[tilespmem:s6], [sflag:$0x1] =	stream.indirect_vreg.gather [hbm4b:s5+s3], $0x80, v3, vm0, $0xb8;
	[tilespmem:$0x18080] =	vst v63  }
0x4b: {  	v3 =	vld [tilespmem:$0x10];
	_ =	sdelay $0x4  }
0x4c: {  	v57 =	vshrl.u32 v3, $0x3  }
0x4d: {  	v4 =	vmul.u32 $0x30, v57  }
0x4e: {  	v3 =	vand.u32 $0x7, v3  }
0x4f: {  	v3 =	vor.u32 v3, v4  }
0x50: {  	v4 =	vperm.xlane v3, v0;
	_ =	sdelay $0x1  }
0x51: {  	v4 =	vadd.s32 v1, v4;
	_ =	sdelay $0x3  }
0x52: {  	s0 =	rddreg [dreg:$0xa];
	v3 =	vperm.xlane v3, v2  }
0x53: {  	[tilespmem:s0], [sflag:$0x1] =	stream.indirect_vreg.gather [hbm4b:s1+s3], $0x80, v4, vm0, $0xb8;
	[tilespmem:$0x18080] =	vst v63  }
0x54: {  	s6 =	rddreg [dreg:$0xb];
	v3 =	vadd.s32 v1, v3  }
0x55: {  	[tilespmem:s6], [sflag:$0x1] =	stream.indirect_vreg.gather [hbm4b:s4+s3], $0x80, v4, vm0, $0xb8;
	[tilespmem:$0x18080] =	vst v63  }
0x56: {  	s0 =	rddreg [dreg:$0xc]  }
0x57: {  	[tilespmem:s0], [sflag:$0x1] =	stream.indirect_vreg.gather [hbm4b:s5+s3], $0x80, v4, vm0, $0xb8;
	[tilespmem:$0x18080] =	vst v63  }
0x58: {  	s6 =	rddreg [dreg:$0xd]  }
0x59: {  	[tilespmem:s6], [sflag:$0x1] =	stream.indirect_vreg.gather [hbm4b:s1+s3], $0x80, v3, vm0, $0xb8;
	[tilespmem:$0x18080] =	vst v63  }
0x5a: {  	s0 =	rddreg [dreg:$0xe]  }
0x5b: {  	[tilespmem:s0], [sflag:$0x1] =	stream.indirect_vreg.gather [hbm4b:s4+s3], $0x80, v3, vm0, $0xb8;
	[tilespmem:$0x18080] =	vst v63  }
0x5c: {  	s6 =	rddreg [dreg:$0xf]  }
0x5d: {  	[tilespmem:s6], [sflag:$0x1] =	stream.indirect_vreg.gather [hbm4b:s5+s3], $0x80, v3, vm0, $0xb8;
	[tilespmem:$0x18080] =	vst v63  }
0x5e: {  	v3 =	vld [tilespmem:$0x20];
	_ =	sdelay $0x4  }
0x5f: {  	v58 =	vshrl.u32 v3, $0x3  }
0x60: {  	v4 =	vmul.u32 $0x30, v58  }
0x61: {  	v3 =	vand.u32 $0x7, v3  }
0x62: {  	v3 =	vor.u32 v3, v4  }
0x63: {  	v4 =	vperm.xlane v3, v0;
	_ =	sdelay $0x1  }
0x64: {  	v4 =	vadd.s32 v1, v4;
	_ =	sdelay $0x3  }
0x65: {  	s0 =	rddreg [dreg:$0x10];
	v3 =	vperm.xlane v3, v2  }
0x66: {  	[tilespmem:s0], [sflag:$0x1] =	stream.indirect_vreg.gather [hbm4b:s1+s3], $0x80, v4, vm0, $0xb8;
	[tilespmem:$0x18080] =	vst v63  }
0x67: {  	s6 =	rddreg [dreg:$0x11];
	v3 =	vadd.s32 v1, v3  }
0x68: {  	[tilespmem:s6], [sflag:$0x1] =	stream.indirect_vreg.gather [hbm4b:s4+s3], $0x80, v4, vm0, $0xb8;
	[tilespmem:$0x18080] =	vst v63  }
0x69: {  	s0 =	rddreg [dreg:$0x12]  }
0x6a: {  	[tilespmem:s0], [sflag:$0x1] =	stream.indirect_vreg.gather [hbm4b:s5+s3], $0x80, v4, vm0, $0xb8;
	[tilespmem:$0x18080] =	vst v63  }
0x6b: {  	s6 =	rddreg [dreg:$0x13]  }
0x6c: {  	[tilespmem:s6], [sflag:$0x1] =	stream.indirect_vreg.gather [hbm4b:s1+s3], $0x80, v3, vm0, $0xb8;
	[tilespmem:$0x18080] =	vst v63  }
0x6d: {  	s0 =	rddreg [dreg:$0x14]  }
0x6e: {  	[tilespmem:s0], [sflag:$0x1] =	stream.indirect_vreg.gather [hbm4b:s4+s3], $0x80, v3, vm0, $0xb8;
	[tilespmem:$0x18080] =	vst v63  }
0x6f: {  	s6 =	rddreg [dreg:$0x15]  }
0x70: {  	[tilespmem:s6], [sflag:$0x1] =	stream.indirect_vreg.gather [hbm4b:s5+s3], $0x80, v3, vm0, $0xb8;
	[tilespmem:$0x18080] =	vst v63  }
0x71: {  	v3 =	vld [tilespmem:$0x30];
	_ =	sdelay $0x4  }
0x72: {  	v59 =	vshrl.u32 v3, $0x3  }
0x73: {  	v4 =	vmul.u32 $0x30, v59  }
0x74: {  	v3 =	vand.u32 $0x7, v3  }
0x75: {  	v3 =	vor.u32 v3, v4  }
0x76: {  	v4 =	vperm.xlane v3, v0;
	_ =	sdelay $0x1  }
0x77: {  	v4 =	vadd.s32 v1, v4;
	_ =	sdelay $0x3  }
0x78: {  	s0 =	rddreg [dreg:$0x16];
	v3 =	vperm.xlane v3, v2  }
0x79: {  	[tilespmem:s0], [sflag:$0x1] =	stream.indirect_vreg.gather [hbm4b:s1+s3], $0x80, v4, vm0, $0xb8;
	[tilespmem:$0x18080] =	vst v63  }
0x7a: {  	s6 =	rddreg [dreg:$0x17];
	v3 =	vadd.s32 v1, v3  }
0x7b: {  	[tilespmem:s6], [sflag:$0x1] =	stream.indirect_vreg.gather [hbm4b:s4+s3], $0x80, v4, vm0, $0xb8;
	[tilespmem:$0x18080] =	vst v63  }
0x7c: {  	s0 =	rddreg [dreg:$0x18]  }
0x7d: {  	[tilespmem:s0], [sflag:$0x1] =	stream.indirect_vreg.gather [hbm4b:s5+s3], $0x80, v4, vm0, $0xb8;
	[tilespmem:$0x18080] =	vst v63  }
0x7e: {  	s6 =	rddreg [dreg:$0x19]  }
0x7f: {  	[tilespmem:s6], [sflag:$0x1] =	stream.indirect_vreg.gather [hbm4b:s1+s3], $0x80, v3, vm0, $0xb8;
	[tilespmem:$0x18080] =	vst v63  }
0x80: {  	s0 =	rddreg [dreg:$0x1a]  }
0x81: {  	[tilespmem:s0], [sflag:$0x1] =	stream.indirect_vreg.gather [hbm4b:s4+s3], $0x80, v3, vm0, $0xb8;
	[tilespmem:$0x18080] =	vst v63  }
0x82: {  	s6 =	rddreg [dreg:$0x1b]  }
0x83: {  	[tilespmem:s6], [sflag:$0x1] =	stream.indirect_vreg.gather [hbm4b:s5+s3], $0x80, v3, vm0, $0xb8;
	[tilespmem:$0x18080] =	vst v63  }
0x84: {  	v3 =	vld [tilespmem:$0x40];
	_ =	sdelay $0x4  }
0x85: {  	v60 =	vshrl.u32 v3, $0x3  }
0x86: {  	v4 =	vmul.u32 $0x30, v60  }
0x87: {  	v3 =	vand.u32 $0x7, v3  }
0x88: {  	v3 =	vor.u32 v3, v4  }
0x89: {  	v4 =	vperm.xlane v3, v0;
	_ =	sdelay $0x1  }
0x8a: {  	v4 =	vadd.s32 v1, v4;
	_ =	sdelay $0x2  }
0x8b: {  	s0 =	rddreg [dreg:$0x1c]  }
0x8c: {  	s6 =	rddreg [dreg:$0x1d];
	v3 =	vperm.xlane v3, v2  }
0x8d: {  	[tilespmem:s0], [sflag:$0x1] =	stream.indirect_vreg.gather [hbm4b:s1+s3], $0x80, v4, vm0, $0xb8;
	[tilespmem:$0x18080] =	vst v63  }
0x8e: {  	v3 =	vadd.s32 v1, v3;
	s0 =	rddreg [dreg:$0x1e]  }
0x8f: {  	[tilespmem:s6], [sflag:$0x1] =	stream.indirect_vreg.gather [hbm4b:s4+s3], $0x80, v4, vm0, $0xb8;
	[tilespmem:$0x18080] =	vst v63  }
0x90: {  	s6 =	rddreg [dreg:$0x1f]  }
0x91: {  	[tilespmem:s0], [sflag:$0x1] =	stream.indirect_vreg.gather [hbm4b:s5+s3], $0x80, v4, vm0, $0xb8;
	[tilespmem:$0x18080] =	vst v63  }
0x92: {  	s0 =	sld [smem:$0x7FD]  }
0x93: {  	[tilespmem:s6], [sflag:$0x1] =	stream.indirect_vreg.gather [hbm4b:s1+s3], $0x80, v3, vm0, $0xb8;
	[tilespmem:$0x18080] =	vst v63  }
0x94: {  	_ = 	snop  }
0x95: {  	[tilespmem:s0], [sflag:$0x1] =	stream.indirect_vreg.gather [hbm4b:s4+s3], $0x80, v3, vm0, $0xb8;
	[tilespmem:$0x18080] =	vst v63  }
0x96: {  	_ = 	snop  }
0x97: {  	[tilespmem:s10], [sflag:$0x1] =	stream.indirect_vreg.gather [hbm4b:s5+s3], $0x80, v3, vm0, $0xb8;
	[tilespmem:$0x18080] =	vst v63  }
0x98: {  	v3 =	vld [tilespmem:$0x50];
	_ =	sdelay $0x4  }
0x99: {  	v61 =	vshrl.u32 v3, $0x3  }
0x9a: {  	v4 =	vmul.u32 $0x30, v61  }
0x9b: {  	v3 =	vand.u32 $0x7, v3  }
0x9c: {  	v3 =	vor.u32 v3, v4  }
0x9d: {  	v4 =	vperm.xlane v3, v0;
	_ =	sdelay $0x1  }
0x9e: {  	v4 =	vadd.s32 v1, v4;
	_ =	sdelay $0x3  }
0x9f: {  	v3 =	vperm.xlane v3, v2  }
0xa0: {  	[tilespmem:s11], [sflag:$0x1] =	stream.indirect_vreg.gather [hbm4b:s1+s3], $0x80, v4, vm0, $0xb8;
	[tilespmem:$0x18080] =	vst v63  }
0xa1: {  	v3 =	vadd.s32 v1, v3  }
0xa2: {  	[tilespmem:s12], [sflag:$0x1] =	stream.indirect_vreg.gather [hbm4b:s4+s3], $0x80, v4, vm0, $0xb8;
	[tilespmem:$0x18080] =	vst v63  }
0xa3: {  	_ = 	snop  }
0xa4: {  	[tilespmem:s13], [sflag:$0x1] =	stream.indirect_vreg.gather [hbm4b:s5+s3], $0x80, v4, vm0, $0xb8;
	[tilespmem:$0x18080] =	vst v63  }
0xa5: {  	_ = 	snop  }
0xa6: {  	[tilespmem:s14], [sflag:$0x1] =	stream.indirect_vreg.gather [hbm4b:s1+s3], $0x80, v3, vm0, $0xb8;
	[tilespmem:$0x18080] =	vst v63  }
0xa7: {  	_ = 	snop  }
0xa8: {  	[tilespmem:s15], [sflag:$0x1] =	stream.indirect_vreg.gather [hbm4b:s4+s3], $0x80, v3, vm0, $0xb8;
	[tilespmem:$0x18080] =	vst v63  }
0xa9: {  	_ = 	snop  }
0xaa: {  	[tilespmem:s16], [sflag:$0x1] =	stream.indirect_vreg.gather [hbm4b:s5+s3], $0x80, v3, vm0, $0xb8;
	[tilespmem:$0x18080] =	vst v63  }
0xab: {  	v3 =	vld [tilespmem:$0x60];
	_ =	sdelay $0x4  }
0xac: {  	v62 =	vshrl.u32 v3, $0x3  }
0xad: {  	v4 =	vmul.u32 $0x30, v62  }
0xae: {  	v3 =	vand.u32 $0x7, v3  }
0xaf: {  	v3 =	vor.u32 v3, v4  }
0xb0: {  	v4 =	vperm.xlane v3, v0;
	_ =	sdelay $0x1  }
0xb1: {  	v4 =	vadd.s32 v1, v4;
	_ =	sdelay $0x3  }
0xb2: {  	v3 =	vperm.xlane v3, v2  }
0xb3: {  	[tilespmem:s17], [sflag:$0x1] =	stream.indirect_vreg.gather [hbm4b:s1+s3], $0x80, v4, vm0, $0xb8;
	[tilespmem:$0x18080] =	vst v63  }
0xb4: {  	v3 =	vadd.s32 v1, v3  }
0xb5: {  	[tilespmem:s18], [sflag:$0x1] =	stream.indirect_vreg.gather [hbm4b:s4+s3], $0x80, v4, vm0, $0xb8;
	[tilespmem:$0x18080] =	vst v63  }
0xb6: {  	_ = 	snop  }
0xb7: {  	[tilespmem:s19], [sflag:$0x1] =	stream.indirect_vreg.gather [hbm4b:s5+s3], $0x80, v4, vm0, $0xb8;
	[tilespmem:$0x18080] =	vst v63  }
0xb8: {  	_ = 	snop  }
0xb9: {  	[tilespmem:s20], [sflag:$0x1] =	stream.indirect_vreg.gather [hbm4b:s1+s3], $0x80, v3, vm0, $0xb8;
	[tilespmem:$0x18080] =	vst v63  }
0xba: {  	_ = 	snop  }
0xbb: {  	[tilespmem:s21], [sflag:$0x1] =	stream.indirect_vreg.gather [hbm4b:s4+s3], $0x80, v3, vm0, $0xb8;
	[tilespmem:$0x18080] =	vst v63  }
0xbc: {  	_ = 	snop  }
0xbd: {  	[tilespmem:s22], [sflag:$0x1] =	stream.indirect_vreg.gather [hbm4b:s5+s3], $0x80, v3, vm0, $0xb8;
	[tilespmem:$0x18080] =	vst v63  }
0xbe: {  	v3 =	vld [tilespmem:$0x70];
	_ =	sdelay $0x4  }
0xbf: {  	v63 =	vshrl.u32 v3, $0x3  }
0xc0: {  	v4 =	vmul.u32 $0x30, v63  }
0xc1: {  	v3 =	vand.u32 $0x7, v3  }
0xc2: {  	v3 =	vor.u32 v3, v4  }
0xc3: {  	v4 =	vperm.xlane v3, v0;
	_ =	sdelay $0x1  }
0xc4: {  	v4 =	vadd.s32 v1, v4;
	_ =	sdelay $0x3  }
0xc5: {  	v3 =	vperm.xlane v3, v2  }
0xc6: {  	[tilespmem:s23], [sflag:$0x1] =	stream.indirect_vreg.gather [hbm4b:s1+s3], $0x80, v4, vm0, $0xb8;
	[tilespmem:$0x18080] =	vst v63  }
0xc7: {  	v3 =	vadd.s32 v1, v3  }
0xc8: {  	[tilespmem:s24], [sflag:$0x1] =	stream.indirect_vreg.gather [hbm4b:s4+s3], $0x80, v4, vm0, $0xb8;
	[tilespmem:$0x18080] =	vst v63  }
0xc9: {  	_ = 	snop  }
0xca: {  	[tilespmem:s25], [sflag:$0x1] =	stream.indirect_vreg.gather [hbm4b:s5+s3], $0x80, v4, vm0, $0xb8;
	[tilespmem:$0x18080] =	vst v63  }
0xcb: {  	_ = 	snop  }
0xcc: {  	[tilespmem:s26], [sflag:$0x1] =	stream.indirect_vreg.gather [hbm4b:s1+s3], $0x80, v3, vm0, $0xb8;
	[tilespmem:$0x18080] =	vst v63  }
0xcd: {  	_ = 	snop  }
0xce: {  	[tilespmem:s28], [sflag:$0x1] =	stream.indirect_vreg.gather [hbm4b:s4+s3], $0x80, v3, vm0, $0xb8;
	[tilespmem:$0x18080] =	vst v63  }
0xcf: {  	_ = 	snop  }
0xd0: {  	[tilespmem:s29], [sflag:$0x1] =	stream.indirect_vreg.gather [hbm4b:s5+s3], $0x80, v3, vm0, $0xb8;
	[tilespmem:$0x18080] =	vst v63  }
0xd1: {  	_ =	swait.ge [sflag:s30], $0x18000  }
0xd2: {  	p0 =	sne.s32 s2, $0x70;
	[sflag:s30] =	ssyncset.done $0x0  }
.Ltmp0:
0xd3: {  	[sflag:s30] =	ssyncadd.s32 $0xFFFE8000;
	(pc) =	sbr.rel @p0 .LBB2_2-.Ltmp0, $4  }
0xd4: {  	[hbm4b:s7+s3] =	stream.linear.scatter [tilespmem:s9], [sflag:$0x2], $0x18000, $0x38;
	[tilespmem:$0x18080] =	vst v63  }
0xd5: {  	_ =	swait.ge [sflag:s8], $0x18000  }
0xd6: {  	[sflag:s8] =	ssyncset.done $0x0  }
0xd7: {  	s2 =	sadd.s32 $0x10, s2;
	s7 =	sadd.s32 $0x3000, s7;
	[sflag:s8] =	ssyncadd.s32 $0xFFFE8000  }
0xd8: {  	s0 =	sld [smem:$0x7FB];
	_ =	sdelay $0x1  }
0xd9: {  	s31 =	sadd.s32 $0x1, s31  }
0xda: {  	p0 =	sne.s32 s31, s0  }
.Ltmp1:
0xdb: {  	_ = 	snop;
	(pc) =	sbr.rel @p0 .LBB2_1-.Ltmp1, $1  }
0xdc: {  	_ =	sdelay $0x3  }
0xdd: {  	_ =	sfence.sel $0x180000  }
0xde: {  	[bflag:$0x0] =	sbarrier.arrive $0xFFFF  }
0xdf: {  	_ =	strace $0x90000047  }
0xe0: {  	s0 =	stileid.u32;
	[bflag:$0x2] =	sbarrier.arrive $0xFFFF  }
0xe1: {  	p0 =	sne.s32 s0, $0x0;
	s0 =	rddreg [dreg:$0x3]  }
0xe2: {  	s0 =	sadd.s32 @!p0 $0x100000, s0  }
0xe3: {  	[sflag:s0] =	ssyncadd.tile.s32 @!p0 $0x1;
	_ =	shalt  }
.Lfunc_end2:
_tile_overlayer_lowered:
.L_overlay_start_2:
0xe4: {  	(tag) =	ssettag $0x2  }
0xe5: {  	s0 =	rddreg [dreg:$0x0];
	s2 =	stileid.u32  }
0xe6: {  	s1 =	rddreg [dreg:$0x1];
	p0 =	sne.s32 s2, $0x0  }
0xe7: {  	s3 =	rddreg [dreg:$0x2];
	[bflag:$0x3] =	sbarrier.arrive $0xFFFF;
	s2 =	simm.s32 @!p0 $0x1C02  }
0xe8: {  	[timem:s3], [sflag:s2] =	dma.local @!p0 [hbm:s0], s1  }
0xe9: {  	s0 =	simm.s32 @!p0 $0x2  }
0xea: {  	_ =	swait.ge @!p0 [sflag:s0], s1  }
0xeb: {  	s1 =	ssub.s32 @!p0 $0x0, s1;
	[sflag:s0] =	ssyncset.done @!p0 $0x0  }
0xec: {  	[sflag:s0] =	ssyncadd.s32 @!p0 s1  }
0xed: {  	[bflag:$0x3] =	sbarrier.arrive $0xFFFF  }
0xee: {  	_ =	shalt  }

</sc_bundles>
